<compile_context>
chip_gen: v7x
topology: tpu7x:2x2x1
jax: 0.10.2.dev20260603
libtpu: 0.0.44.dev20260713+nightly
codegen_flags: <defaults>
</compile_context>

<pallas_src>
import functools

import jax
import jax.numpy as jnp
from jax import lax
from jax.experimental import pallas as pl
from jax.experimental.pallas import tpu as pltpu
from jax.experimental.pallas import tpu_sc as plsc

N_PRED = 4096
N_GT = 16384
BM = 512
CHUNK = 2048

_SC_NC = 2
_SC_NS = 16
_NW = _SC_NC * _SC_NS
_B_PER_W = N_PRED // _NW


def _k1_body(a_ref, gt_ref, pt_ref, minsq_ref, idx_ref, minself_ref,
             cg_ref, gaug_ref):
    i = pl.program_id(0)
    a = a_ref[...]
    a_bf = a.astype(jnp.bfloat16)
    a2 = jnp.sum(a * a, axis=1, keepdims=True)
    cg_ref[...] = lax.broadcasted_iota(jnp.int32, (1, N_GT), 1)
    big = jnp.float32(3.0e38)
    bigi = jnp.int32(2 ** 30)

    @pl.when(i == 0)
    def _():
        g = gt_ref[...]
        b2 = g[0:1] * g[0:1] + g[1:2] * g[1:2] + g[2:3] * g[2:3]
        gaug_ref[0:3, :] = g
        gaug_ref[3:4, :] = -0.5 * b2

    aug1 = jnp.concatenate(
        [a_bf, jnp.ones((BM, 1), jnp.bfloat16)], axis=1)

    gmax = jnp.full((BM, 1), -big, jnp.float32)
    gidx = jnp.zeros((BM, 1), jnp.int32)
    for c in range(N_GT // CHUNK):
        ga = gaug_ref[:, c * CHUNK:(c + 1) * CHUNK]
        m = jnp.dot(aug1, ga.astype(jnp.bfloat16),
                    preferred_element_type=jnp.float32)
        cmax = jnp.max(m, axis=1, keepdims=True)
        csel = jnp.where(m == cmax, cg_ref[:, c * CHUNK:(c + 1) * CHUNK],
                         bigi)
        cidx = jnp.min(csel, axis=1, keepdims=True)
        upd = cmax > gmax
        gmax = jnp.where(upd, cmax, gmax)
        gidx = jnp.where(upd, cidx, gidx)
    idx_ref[...] = gidx
    minsq_ref[...] = jnp.maximum(a2 - 2.0 * gmax, 1e-12)

    rowg = lax.broadcasted_iota(jnp.int32, (BM, 1), 0) + i * BM

    ms = jnp.full((BM, 1), big, jnp.float32)
    for c in range(N_PRED // CHUNK):
        p = pt_ref[:, c * CHUNK:(c + 1) * CHUNK]
        b2 = p[0:1] * p[0:1] + p[1:2] * p[1:2] + p[2:3] * p[2:3]
        m = jnp.dot(a_bf, p.astype(jnp.bfloat16),
                    preferred_element_type=jnp.float32)
        r = b2 - 2.0 * m
        cg = cg_ref[:, c * CHUNK:(c + 1) * CHUNK]
        r = jnp.where(cg == rowg, big, r)
        ms = jnp.minimum(ms, jnp.min(r, axis=1, keepdims=True))
    minself_ref[...] = jnp.maximum(a2 + ms, 1e-12)


_k1 = pl.pallas_call(
    _k1_body,
    grid=(N_PRED // BM,),
    in_specs=[
        pl.BlockSpec((BM, 3), lambda i: (i, 0)),
        pl.BlockSpec((3, N_GT), lambda i: (0, 0)),
        pl.BlockSpec((3, N_PRED), lambda i: (0, 0)),
    ],
    out_specs=[
        pl.BlockSpec((BM, 1), lambda i: (i, 0)),
        pl.BlockSpec((BM, 1), lambda i: (i, 0)),
        pl.BlockSpec((BM, 1), lambda i: (i, 0)),
    ],
    out_shape=[
        jax.ShapeDtypeStruct((N_PRED, 1), jnp.float32),
        jax.ShapeDtypeStruct((N_PRED, 1), jnp.int32),
        jax.ShapeDtypeStruct((N_PRED, 1), jnp.float32),
    ],
    scratch_shapes=[pltpu.VMEM((1, N_GT), jnp.int32),
                    pltpu.VMEM((4, N_GT), jnp.float32)],
)


@functools.lru_cache(maxsize=1)
def _make_sc_gather():
    mesh = plsc.VectorSubcoreMesh(core_axis_name="c", subcore_axis_name="s")

    @functools.partial(
        pl.kernel,
        mesh=mesh,
        out_type=jax.ShapeDtypeStruct((N_PRED, 16), jnp.float32),
        scratch_types=[
            pltpu.VMEM((_B_PER_W,), jnp.int32),
            pltpu.VMEM((_B_PER_W, 16), jnp.float32),
            pltpu.SemaphoreType.DMA,
        ],
        compiler_params=pltpu.CompilerParams(use_tc_tiling_on_sc=False),
    )
    def gather_k(table_hbm, idx_hbm, out_hbm, idx_v, rows_v, sem):
        wid = lax.axis_index("s") * _SC_NC + lax.axis_index("c")
        base = wid * _B_PER_W
        pltpu.sync_copy(idx_hbm.at[pl.ds(base, _B_PER_W)], idx_v)
        pltpu.async_copy(table_hbm.at[idx_v], rows_v, sem).wait()
        pltpu.sync_copy(rows_v, out_hbm.at[pl.ds(base, _B_PER_W)])

    return gather_k


def _k3_body(minsq_ref, minself_ref, pnt_ref, gnt_ref, out_ref):
    minsq = minsq_ref[...]
    minself = minself_ref[...]
    pnt = pnt_ref[...]
    gnt = gnt_ref[...]

    attraction = jnp.sum(minsq) / (N_PRED * 3.0)

    d = jnp.sqrt(minself)
    x = 100.0 * (0.3 - d)
    pen = jnp.maximum(x, 0.0) + jnp.log(1.0 + jnp.exp(-jnp.abs(x)))
    repulsion = jnp.sum(pen * pen) / N_PRED

    pn2 = jnp.sum(pnt * pnt, axis=0, keepdims=True)
    gn2 = jnp.sum(gnt * gnt, axis=0, keepdims=True)
    pd = jnp.maximum(jnp.sqrt(pn2), 1e-5)
    gd = jnp.maximum(jnp.sqrt(gn2), 1e-5)
    dot = jnp.sum(pnt * gnt, axis=0, keepdims=True)
    cos = dot / (pd * gd)
    norm_loss = jnp.sum(1.0 - cos) / N_PRED

    out_ref[0, 0] = attraction + repulsion + 10.0 * norm_loss


_k3 = pl.pallas_call(
    _k3_body,
    out_specs=pl.BlockSpec(memory_space=pltpu.SMEM),
    out_shape=jax.ShapeDtypeStruct((1, 1), jnp.float32),
)


def kernel(pred_feat, pred_decoder, input_data, gt_data):
    pp = pred_feat[:, :3]
    pn = pred_feat[:, 3:]
    gp = gt_data[:, :3]
    gn = gt_data[:, 3:]

    minsq, idx, minself = _k1(pp, gp.T, pp.T)
    gtab = jnp.pad(gn, ((0, 0), (0, 13)))
    g = _make_sc_gather()(gtab, idx.reshape(N_PRED))
    out = _k3(minsq.reshape(32, 128), minself.reshape(32, 128),
              pn.T, g[:, :3].T)
    return out[0, 0]

# --- scband reference (transcript-rebuilt; emitter-appended) ---
"""Pipeline reference for scband-combined-criterion-aeimpulse-30923764531286 (READ-ONLY COPY).

The authoritative reference and input builder live on the scoring server;
editing this copy changes nothing except your own understanding.
"""

import jax, jax.numpy as jnp
import numpy as np


def _cdist(a, b):
    a2 = jnp.sum(a * a, axis=1)[:, None]
    b2 = jnp.sum(b * b, axis=1)[None, :]
    sq = a2 + b2 - 2.0 * (a @ b.T)
    return jnp.sqrt(jnp.maximum(sq, 1e-12))


def _normalize(x, eps=1e-5):
    n = jnp.sqrt(jnp.sum(x * x, axis=1, keepdims=True))
    return x / jnp.maximum(n, eps)


def setup_inputs(seed: int = 0) -> dict:
    key = jax.random.key(seed)
    k1, k2, k3, k4 = jax.random.split(key, 4)
    return {
        "pred_feat": jax.random.normal(k1, (4096, 6), dtype=jnp.float32),
        "pred_decoder": jax.random.normal(k2, (8192, 4), dtype=jnp.float32),
        "input_data": jax.random.normal(k3, (8192, 4), dtype=jnp.float32),
        "gt_data": jax.random.normal(k4, (16384, 6), dtype=jnp.float32),
    }


def reference(pred_feat, pred_decoder, input_data, gt_data):
    # train_decoder=False path (default)
    pred_points = pred_feat[:, :3]
    pred_normals = pred_feat[:, 3:]
    gt_points = gt_data[:, :3]
    gt_normals = gt_data[:, 3:]

    # nearest-neighbor search: N x L distance matrix + argmin over gt
    dists = _cdist(pred_points, gt_points)
    min_indices = jnp.argmin(dists, axis=1)
    closest_gt_points = jnp.take(gt_points, min_indices, axis=0)
    attraction_loss = jnp.mean((pred_points - closest_gt_points) ** 2)

    # repulsion loss: N x N self-distance, mask diagonal, min over others
    N = pred_points.shape[0]
    dmat = _cdist(pred_points, pred_points)
    eye = jnp.eye(N, dtype=dmat.dtype)
    dist_no_self = dmat + 1000000.0 * eye
    min_dist_to_other = jnp.min(dist_no_self, axis=1)
    penalty = jax.nn.softplus(100.0 * (0.3 - min_dist_to_other))
    repulsion_loss = jnp.mean(penalty ** 2)

    inlier_loss = attraction_loss + repulsion_loss

    closest_gt_normals = jnp.take(gt_normals, min_indices, axis=0)
    pred_normals_unit = _normalize(pred_normals, eps=1e-5)
    gt_normals_unit = _normalize(closest_gt_normals, eps=1e-5)
    cos_theta = jnp.sum(pred_normals_unit * gt_normals_unit, axis=1)
    norm_loss = jnp.mean(1.0 - cos_theta)

    combined_loss = inlier_loss + norm_loss * 10.0
    return combined_loss

if __name__ == "__main__":
    import jax
    _d = setup_inputs()
    print(jax.jit(kernel)(*tuple(_d.values())))

</pallas_src>

<mosaic_0001>
#map = affine_map<(d0, d1) -> (0, 0)>
#map1 = affine_map<(d0, d1) -> (0)>
module attributes {stable_mosaic.version = 14 : i64} {
  func.func @gather_k(%arg0: i32, %arg1: i32, %arg2: memref<16384x16xf32, #tpu.memory_space<hbm>>, %arg3: memref<4096xi32, #tpu.memory_space<hbm>>, %arg4: memref<4096x16xf32, #tpu.memory_space<hbm>>, %arg5: memref<128xi32, #tpu.memory_space<vmem>>, %arg6: memref<128x16xf32, #tpu.memory_space<vmem>>, %arg7: memref<!tpu.dma_semaphore, #tpu.memory_space<semaphore_mem>>) attributes {dimension_semantics = [#tpu.dimension_semantics<core_parallel>, #tpu.dimension_semantics<subcore_parallel>], iteration_bounds = array<i64: 2, 16>, scalar_prefetch = 0 : i64, scratch_operands = 3 : i64, tpu.core_type = #tpu.core_type<sc_vector_subcore>, window_params = [{transform_indices = #map}, {transform_indices = #map1}, {transform_indices = #map}]} {
    %mul3A = arith.constant 2 : i32
    %mul3A_0 = arith.muli %arg1, %mul3A : i32
    %add3A = arith.addi %mul3A_0, %arg0 : i32
    %mul3A_1 = arith.constant 128 : i32
    %mul3A_2 = arith.muli %add3A, %mul3A_1 : i32
    "tpu.region"() ({
      %run_scoped3A = tpu.sem_alloc : memref<!tpu.dma_semaphore, #tpu.memory_space<semaphore_mem>>
      %dma_start3A_7 = tpu.memref_slice %arg3[%mul3A_2] : memref<4096xi32, #tpu.memory_space<hbm>> -> memref<128xi32, #tpu.memory_space<hbm>>
      %dma_start3A_8 = tpu.memref_slice %arg3[%mul3A_2] : memref<4096xi32, #tpu.memory_space<hbm>> -> memref<128xi32, #tpu.memory_space<hbm>>
      tpu.enqueue_dma source(%dma_start3A_8 : memref<128xi32, #tpu.memory_space<hbm>>) target(%arg5 : memref<128xi32, #tpu.memory_space<vmem>>) target_semaphore(%run_scoped3A : memref<!tpu.dma_semaphore, #tpu.memory_space<semaphore_mem>>)
      %dma_wait3A_9 = tpu.memref_slice %arg3[%mul3A_2] : memref<4096xi32, #tpu.memory_space<hbm>> -> memref<128xi32, #tpu.memory_space<hbm>>
      %dma_wait3A_10 = tpu.memref_slice %arg3[%mul3A_2] : memref<4096xi32, #tpu.memory_space<hbm>> -> memref<128xi32, #tpu.memory_space<hbm>>
      tpu.wait_dma2 semaphore(%run_scoped3A : memref<!tpu.dma_semaphore, #tpu.memory_space<semaphore_mem>>) src(%dma_wait3A_10 : memref<128xi32, #tpu.memory_space<hbm>>) dst(%arg5 : memref<128xi32, #tpu.memory_space<vmem>>)
      tpu.yield
    }) : () -> ()
    %dma_start3A = arith.constant 0 : i32
    %dma_start3A_3 = arith.constant 0 : i32
    %dma_start3A_4 = tpu.memref_slice %arg2[%dma_start3A, %dma_start3A_3] : memref<16384x16xf32, #tpu.memory_space<hbm>> -> memref<16384x16xf32, #tpu.memory_space<hbm>>
    tpu.enqueue_indirect_dma source(%dma_start3A_4 : memref<16384x16xf32, #tpu.memory_space<hbm>>) target(%arg6 : memref<128x16xf32, #tpu.memory_space<vmem>>) offsets(%arg5 : memref<128xi32, #tpu.memory_space<vmem>>) semaphore(%arg7 : memref<!tpu.dma_semaphore, #tpu.memory_space<semaphore_mem>>)
    %dma_wait3A = arith.constant 0 : i32
    %dma_wait3A_5 = arith.constant 0 : i32
    %dma_wait3A_6 = tpu.memref_slice %arg2[%dma_wait3A, %dma_wait3A_5] : memref<16384x16xf32, #tpu.memory_space<hbm>> -> memref<16384x16xf32, #tpu.memory_space<hbm>>
    tpu.wait_indirect_dma semaphore(%arg7 : memref<!tpu.dma_semaphore, #tpu.memory_space<semaphore_mem>>) src(%dma_wait3A_6 : memref<16384x16xf32, #tpu.memory_space<hbm>>) dst(%arg6 : memref<128x16xf32, #tpu.memory_space<vmem>>)
    "tpu.region"() ({
      %run_scoped3A = tpu.sem_alloc : memref<!tpu.dma_semaphore, #tpu.memory_space<semaphore_mem>>
      %dma_start3A_7 = arith.constant 0 : i32
      %dma_start3A_8 = tpu.memref_slice %arg4[%mul3A_2, %dma_start3A_7] : memref<4096x16xf32, #tpu.memory_space<hbm>> -> memref<128x16xf32, #tpu.memory_space<hbm>>
      %dma_start3A_9 = arith.constant 0 : i32
      %dma_start3A_10 = tpu.memref_slice %arg4[%mul3A_2, %dma_start3A_9] : memref<4096x16xf32, #tpu.memory_space<hbm>> -> memref<128x16xf32, #tpu.memory_space<hbm>>
      tpu.enqueue_dma source(%arg6 : memref<128x16xf32, #tpu.memory_space<vmem>>) target(%dma_start3A_10 : memref<128x16xf32, #tpu.memory_space<hbm>>) target_semaphore(%run_scoped3A : memref<!tpu.dma_semaphore, #tpu.memory_space<semaphore_mem>>)
      %dma_wait3A_11 = arith.constant 0 : i32
      %dma_wait3A_12 = tpu.memref_slice %arg4[%mul3A_2, %dma_wait3A_11] : memref<4096x16xf32, #tpu.memory_space<hbm>> -> memref<128x16xf32, #tpu.memory_space<hbm>>
      %dma_wait3A_13 = arith.constant 0 : i32
      %dma_wait3A_14 = tpu.memref_slice %arg4[%mul3A_2, %dma_wait3A_13] : memref<4096x16xf32, #tpu.memory_space<hbm>> -> memref<128x16xf32, #tpu.memory_space<hbm>>
      tpu.wait_dma2 semaphore(%run_scoped3A : memref<!tpu.dma_semaphore, #tpu.memory_space<semaphore_mem>>) src(%arg6 : memref<128x16xf32, #tpu.memory_space<vmem>>) dst(%dma_wait3A_14 : memref<128x16xf32, #tpu.memory_space<hbm>>)
      tpu.yield
    }) : () -> ()
    return
  }
}

module attributes {stable_mosaic.version = 14 : i64} {
  func.func @_k1_body(%arg0: i32, %arg1: memref<512x3xf32, #tpu.memory_space<vmem>>, %arg2: memref<3x16384xf32, #tpu.memory_space<vmem>>, %arg3: memref<3x4096xf32, #tpu.memory_space<vmem>>, %arg4: memref<512x1xf32, #tpu.memory_space<vmem>>, %arg5: memref<512x1xi32, #tpu.memory_space<vmem>>, %arg6: memref<512x1xf32, #tpu.memory_space<vmem>>, %arg7: memref<1x16384xi32, #tpu.memory_space<vmem>>, %arg8: memref<4x16384xf32, #tpu.memory_space<vmem>>) attributes {dimension_semantics = [#tpu.dimension_semantics<arbitrary>], iteration_bounds = array<i64: 8>, scalar_prefetch = 0 : i64, scratch_operands = 2 : i64, tpu.core_type = #tpu.core_type<tc>, window_params = [{transform_indices = @transform_0, window_bounds = array<i64: 512, 3>}, {pipeline_mode = #tpu.pipeline_mode<synchronous>, transform_indices = @transform_1, window_bounds = array<i64: 3, 16384>}, {pipeline_mode = #tpu.pipeline_mode<synchronous>, transform_indices = @transform_2, window_bounds = array<i64: 3, 4096>}, {transform_indices = @transform_3, window_bounds = array<i64: 512, 1>}, {transform_indices = @transform_4, window_bounds = array<i64: 512, 1>}, {transform_indices = @transform_5, window_bounds = array<i64: 512, 1>}]} {
    %get3A = arith.constant 0 : index
    %get3A_0 = arith.constant 0 : index
    %get3A_1 = vector.load %arg1[%get3A, %get3A_0] : memref<512x3xf32, #tpu.memory_space<vmem>>, vector<512x3xf32>
    %convert_element_type3A = arith.truncf %get3A_1 : vector<512x3xf32> to vector<512x3xbf16>
    %mul3A = arith.mulf %get3A_1, %get3A_1 : vector<512x3xf32>
    %reduce_sum3A = arith.constant dense<0.000000e+00> : vector<512xf32>
    %reduce_sum3A_2 = vector.multi_reduction <add>, %mul3A, %reduce_sum3A [1] : vector<512x3xf32> to vector<512xf32>
    %broadcast_in_dim3A = vector.shape_cast %reduce_sum3A_2 : vector<512xf32> to vector<512x1xf32>
    %iota3A = tpu.iota {dimensions = array<i32: 1>} : vector<1x16384xi32>
    %swap3A = arith.constant 0 : index
    %swap3A_3 = arith.constant 0 : index
    %swap3A_4 = vector.load %arg7[%swap3A, %swap3A_3] : memref<1x16384xi32, #tpu.memory_space<vmem>>, vector<1x16384xi32>
    tpu.vector_store %arg7[%swap3A, %swap3A_3], %iota3A {strides = array<i32>} : memref<1x16384xi32, #tpu.memory_space<vmem>>, vector<1x16384xi32>,
    %eq3A = arith.constant 0 : i32
    %eq3A_5 = arith.cmpi eq, %arg0, %eq3A : i32
    %convert_element_type3A_6 = arith.extui %eq3A_5 : i1 to i32
    %cond3A = arith.constant 0 : i32
    %cond3A_7 = arith.cmpi ne, %convert_element_type3A_6, %cond3A : i32
    scf.if %cond3A_7 {
      %get3A_301 = arith.constant 0 : index
      %get3A_302 = arith.constant 0 : index
      %get3A_303 = vector.load %arg2[%get3A_301, %get3A_302] : memref<3x16384xf32, #tpu.memory_space<vmem>>, vector<3x16384xf32>
      %slice3A_304 = vector.extract_strided_slice %get3A_303 {offsets = [0, 0], sizes = [1, 16384], strides = [1, 1]} : vector<3x16384xf32> to vector<1x16384xf32>
      %slice3A_305 = vector.extract_strided_slice %get3A_303 {offsets = [0, 0], sizes = [1, 16384], strides = [1, 1]} : vector<3x16384xf32> to vector<1x16384xf32>
      %mul3A_306 = arith.mulf %slice3A_304, %slice3A_305 : vector<1x16384xf32>
      %slice3A_307 = vector.extract_strided_slice %get3A_303 {offsets = [1, 0], sizes = [1, 16384], strides = [1, 1]} : vector<3x16384xf32> to vector<1x16384xf32>
      %slice3A_308 = vector.extract_strided_slice %get3A_303 {offsets = [1, 0], sizes = [1, 16384], strides = [1, 1]} : vector<3x16384xf32> to vector<1x16384xf32>
      %mul3A_309 = arith.mulf %slice3A_307, %slice3A_308 : vector<1x16384xf32>
      %add3A_310 = arith.addf %mul3A_306, %mul3A_309 : vector<1x16384xf32>
      %slice3A_311 = vector.extract_strided_slice %get3A_303 {offsets = [2, 0], sizes = [1, 16384], strides = [1, 1]} : vector<3x16384xf32> to vector<1x16384xf32>
      %slice3A_312 = vector.extract_strided_slice %get3A_303 {offsets = [2, 0], sizes = [1, 16384], strides = [1, 1]} : vector<3x16384xf32> to vector<1x16384xf32>
      %mul3A_313 = arith.mulf %slice3A_311, %slice3A_312 : vector<1x16384xf32>
      %add3A_314 = arith.addf %add3A_310, %mul3A_313 : vector<1x16384xf32>
      %swap3A_315 = arith.constant 0 : index
      %swap3A_316 = arith.constant 0 : index
      %swap3A_317 = vector.load %arg8[%swap3A_315, %swap3A_316] : memref<4x16384xf32, #tpu.memory_space<vmem>>, vector<3x16384xf32>
      tpu.vector_store %arg8[%swap3A_315, %swap3A_316], %get3A_303 {strides = array<i32>} : memref<4x16384xf32, #tpu.memory_space<vmem>>, vector<3x16384xf32>,
      %mul3A_318 = arith.constant -5.000000e-01 : f32
      %mul3A_319 = vector.broadcast %mul3A_318 : f32 to vector<1x16384xf32>
      %mul3A_320 = arith.mulf %mul3A_319, %add3A_314 : vector<1x16384xf32>
      %swap3A_321 = arith.constant 3 : index
      %swap3A_322 = arith.constant 0 : index
      %swap3A_323 = vector.load %arg8[%swap3A_321, %swap3A_322] : memref<4x16384xf32, #tpu.memory_space<vmem>>, vector<1x16384xf32>
      tpu.vector_store %arg8[%swap3A_321, %swap3A_322], %mul3A_320 {strides = array<i32>} : memref<4x16384xf32, #tpu.memory_space<vmem>>, vector<1x16384xf32>,
    } else {
    }
    %broadcast_in_dim3A_8 = arith.constant 1.000000e+00 : bf16
    %broadcast_in_dim3A_9 = vector.broadcast %broadcast_in_dim3A_8 : bf16 to vector<512x1xbf16>
    %concatenate3A = tpu.concatenate %convert_element_type3A, %broadcast_in_dim3A_9 in 1 : vector<512x3xbf16>, vector<512x1xbf16> -> vector<512x4xbf16>
    %neg3A = arith.constant 0.000000e+00 : f32
    %neg3A_10 = arith.constant 3.000000e+38 : f32
    %neg3A_11 = arith.subf %neg3A, %neg3A_10 : f32
    %broadcast_in_dim3A_12 = vector.broadcast %neg3A_11 : f32 to vector<512x1xf32>
    %broadcast_in_dim3A_13 = arith.constant 0 : i32
    %broadcast_in_dim3A_14 = vector.broadcast %broadcast_in_dim3A_13 : i32 to vector<512x1xi32>
    %get3A_15 = arith.constant 0 : index
    %get3A_16 = arith.constant 0 : index
    %get3A_17 = vector.load %arg8[%get3A_15, %get3A_16] : memref<4x16384xf32, #tpu.memory_space<vmem>>, vector<4x2048xf32>
    %convert_element_type3A_18 = arith.truncf %get3A_17 : vector<4x2048xf32> to vector<4x2048xbf16>
    %dot_general3A = arith.constant dense<0.000000e+00> : vector<512x2048xf32>
    %dot_general3A_19 = tpu.matmul %concatenate3A, %convert_element_type3A_18, %dot_general3A {dimension_numbers = #tpu.dot_dimension_numbers<[1], [0], [0], [1], [0, 0, 1, 1], [], []>, transpose_lhs_hint = false} : vector<512x4xbf16>, vector<4x2048xbf16>, vector<512x2048xf32> -> vector<512x2048xf32>
    %reduce_max3A = arith.constant dense<0xFF800000> : vector<512xf32>
    %reduce_max3A_20 = vector.multi_reduction <maximumf>, %dot_general3A_19, %reduce_max3A [1] : vector<512x2048xf32> to vector<512xf32>
    %broadcast_in_dim3A_21 = vector.shape_cast %reduce_max3A_20 : vector<512xf32> to vector<512x1xf32>
    %eq3A_22 = vector.broadcast %broadcast_in_dim3A_21 : vector<512x1xf32> to vector<512x2048xf32>
    %eq3A_23 = arith.cmpf oeq, %dot_general3A_19, %eq3A_22 : vector<512x2048xf32>
    %get3A_24 = arith.constant 0 : index
    %get3A_25 = arith.constant 0 : index
    %get3A_26 = vector.load %arg7[%get3A_24, %get3A_25] : memref<1x16384xi32, #tpu.memory_space<vmem>>, vector<1x2048xi32>
    %jit3A = arith.constant 1073741824 : i32
    %broadcast_in_dim3A_27 = vector.shape_cast %get3A_26 : vector<1x2048xi32> to vector<1x2048xi32>
    %broadcast_in_dim3A_28 = vector.broadcast %broadcast_in_dim3A_27 : vector<1x2048xi32> to vector<512x2048xi32>
    %broadcast_in_dim3A_29 = vector.broadcast %jit3A : i32 to vector<512x2048xi32>
    %select_n3A = arith.select %eq3A_23, %broadcast_in_dim3A_28, %broadcast_in_dim3A_29 : vector<512x2048xi1>, vector<512x2048xi32>
    %reduce_min3A = arith.constant dense<2147483647> : vector<512xi32>
    %reduce_min3A_30 = vector.multi_reduction <minsi>, %select_n3A, %reduce_min3A [1] : vector<512x2048xi32> to vector<512xi32>
    %broadcast_in_dim3A_31 = vector.shape_cast %reduce_min3A_30 : vector<512xi32> to vector<512x1xi32>
    %gt3A = arith.cmpf ogt, %broadcast_in_dim3A_21, %broadcast_in_dim3A_12 : vector<512x1xf32>
    %select_n3A_32 = arith.select %gt3A, %broadcast_in_dim3A_21, %broadcast_in_dim3A_12 : vector<512x1xi1>, vector<512x1xf32>
    %select_n3A_33 = arith.select %gt3A, %broadcast_in_dim3A_31, %broadcast_in_dim3A_14 : vector<512x1xi1>, vector<512x1xi32>
    %get3A_34 = arith.constant 0 : index
    %get3A_35 = arith.constant 2048 : index
    %get3A_36 = vector.load %arg8[%get3A_34, %get3A_35] : memref<4x16384xf32, #tpu.memory_space<vmem>>, vector<4x2048xf32>
    %convert_element_type3A_37 = arith.truncf %get3A_36 : vector<4x2048xf32> to vector<4x2048xbf16>
    %dot_general3A_38 = arith.constant dense<0.000000e+00> : vector<512x2048xf32>
    %dot_general3A_39 = tpu.matmul %concatenate3A, %convert_element_type3A_37, %dot_general3A_38 {dimension_numbers = #tpu.dot_dimension_numbers<[1], [0], [0], [1], [0, 0, 1, 1], [], []>, transpose_lhs_hint = false} : vector<512x4xbf16>, vector<4x2048xbf16>, vector<512x2048xf32> -> vector<512x2048xf32>
    %reduce_max3A_40 = arith.constant dense<0xFF800000> : vector<512xf32>
    %reduce_max3A_41 = vector.multi_reduction <maximumf>, %dot_general3A_39, %reduce_max3A_40 [1] : vector<512x2048xf32> to vector<512xf32>
    %broadcast_in_dim3A_42 = vector.shape_cast %reduce_max3A_41 : vector<512xf32> to vector<512x1xf32>
    %eq3A_43 = vector.broadcast %broadcast_in_dim3A_42 : vector<512x1xf32> to vector<512x2048xf32>
    %eq3A_44 = arith.cmpf oeq, %dot_general3A_39, %eq3A_43 : vector<512x2048xf32>
    %get3A_45 = arith.constant 0 : index
    %get3A_46 = arith.constant 2048 : index
    %get3A_47 = vector.load %arg7[%get3A_45, %get3A_46] : memref<1x16384xi32, #tpu.memory_space<vmem>>, vector<1x2048xi32>
    %jit3A_48 = arith.constant 1073741824 : i32
    %broadcast_in_dim3A_49 = vector.shape_cast %get3A_47 : vector<1x2048xi32> to vector<1x2048xi32>
    %broadcast_in_dim3A_50 = vector.broadcast %broadcast_in_dim3A_49 : vector<1x2048xi32> to vector<512x2048xi32>
    %broadcast_in_dim3A_51 = vector.broadcast %jit3A_48 : i32 to vector<512x2048xi32>
    %select_n3A_52 = arith.select %eq3A_44, %broadcast_in_dim3A_50, %broadcast_in_dim3A_51 : vector<512x2048xi1>, vector<512x2048xi32>
    %reduce_min3A_53 = arith.constant dense<2147483647> : vector<512xi32>
    %reduce_min3A_54 = vector.multi_reduction <minsi>, %select_n3A_52, %reduce_min3A_53 [1] : vector<512x2048xi32> to vector<512xi32>
    %broadcast_in_dim3A_55 = vector.shape_cast %reduce_min3A_54 : vector<512xi32> to vector<512x1xi32>
    %gt3A_56 = arith.cmpf ogt, %broadcast_in_dim3A_42, %select_n3A_32 : vector<512x1xf32>
    %select_n3A_57 = arith.select %gt3A_56, %broadcast_in_dim3A_42, %select_n3A_32 : vector<512x1xi1>, vector<512x1xf32>
    %select_n3A_58 = arith.select %gt3A_56, %broadcast_in_dim3A_55, %select_n3A_33 : vector<512x1xi1>, vector<512x1xi32>
    %get3A_59 = arith.constant 0 : index
    %get3A_60 = arith.constant 4096 : index
    %get3A_61 = vector.load %arg8[%get3A_59, %get3A_60] : memref<4x16384xf32, #tpu.memory_space<vmem>>, vector<4x2048xf32>
    %convert_element_type3A_62 = arith.truncf %get3A_61 : vector<4x2048xf32> to vector<4x2048xbf16>
    %dot_general3A_63 = arith.constant dense<0.000000e+00> : vector<512x2048xf32>
    %dot_general3A_64 = tpu.matmul %concatenate3A, %convert_element_type3A_62, %dot_general3A_63 {dimension_numbers = #tpu.dot_dimension_numbers<[1], [0], [0], [1], [0, 0, 1, 1], [], []>, transpose_lhs_hint = false} : vector<512x4xbf16>, vector<4x2048xbf16>, vector<512x2048xf32> -> vector<512x2048xf32>
    %reduce_max3A_65 = arith.constant dense<0xFF800000> : vector<512xf32>
    %reduce_max3A_66 = vector.multi_reduction <maximumf>, %dot_general3A_64, %reduce_max3A_65 [1] : vector<512x2048xf32> to vector<512xf32>
    %broadcast_in_dim3A_67 = vector.shape_cast %reduce_max3A_66 : vector<512xf32> to vector<512x1xf32>
    %eq3A_68 = vector.broadcast %broadcast_in_dim3A_67 : vector<512x1xf32> to vector<512x2048xf32>
    %eq3A_69 = arith.cmpf oeq, %dot_general3A_64, %eq3A_68 : vector<512x2048xf32>
    %get3A_70 = arith.constant 0 : index
    %get3A_71 = arith.constant 4096 : index
    %get3A_72 = vector.load %arg7[%get3A_70, %get3A_71] : memref<1x16384xi32, #tpu.memory_space<vmem>>, vector<1x2048xi32>
    %jit3A_73 = arith.constant 1073741824 : i32
    %broadcast_in_dim3A_74 = vector.shape_cast %get3A_72 : vector<1x2048xi32> to vector<1x2048xi32>
    %broadcast_in_dim3A_75 = vector.broadcast %broadcast_in_dim3A_74 : vector<1x2048xi32> to vector<512x2048xi32>
    %broadcast_in_dim3A_76 = vector.broadcast %jit3A_73 : i32 to vector<512x2048xi32>
    %select_n3A_77 = arith.select %eq3A_69, %broadcast_in_dim3A_75, %broadcast_in_dim3A_76 : vector<512x2048xi1>, vector<512x2048xi32>
    %reduce_min3A_78 = arith.constant dense<2147483647> : vector<512xi32>
    %reduce_min3A_79 = vector.multi_reduction <minsi>, %select_n3A_77, %reduce_min3A_78 [1] : vector<512x2048xi32> to vector<512xi32>
    %broadcast_in_dim3A_80 = vector.shape_cast %reduce_min3A_79 : vector<512xi32> to vector<512x1xi32>
    %gt3A_81 = arith.cmpf ogt, %broadcast_in_dim3A_67, %select_n3A_57 : vector<512x1xf32>
    %select_n3A_82 = arith.select %gt3A_81, %broadcast_in_dim3A_67, %select_n3A_57 : vector<512x1xi1>, vector<512x1xf32>
    %select_n3A_83 = arith.select %gt3A_81, %broadcast_in_dim3A_80, %select_n3A_58 : vector<512x1xi1>, vector<512x1xi32>
    %get3A_84 = arith.constant 0 : index
    %get3A_85 = arith.constant 6144 : index
    %get3A_86 = vector.load %arg8[%get3A_84, %get3A_85] : memref<4x16384xf32, #tpu.memory_space<vmem>>, vector<4x2048xf32>
    %convert_element_type3A_87 = arith.truncf %get3A_86 : vector<4x2048xf32> to vector<4x2048xbf16>
    %dot_general3A_88 = arith.constant dense<0.000000e+00> : vector<512x2048xf32>
    %dot_general3A_89 = tpu.matmul %concatenate3A, %convert_element_type3A_87, %dot_general3A_88 {dimension_numbers = #tpu.dot_dimension_numbers<[1], [0], [0], [1], [0, 0, 1, 1], [], []>, transpose_lhs_hint = false} : vector<512x4xbf16>, vector<4x2048xbf16>, vector<512x2048xf32> -> vector<512x2048xf32>
    %reduce_max3A_90 = arith.constant dense<0xFF800000> : vector<512xf32>
    %reduce_max3A_91 = vector.multi_reduction <maximumf>, %dot_general3A_89, %reduce_max3A_90 [1] : vector<512x2048xf32> to vector<512xf32>
    %broadcast_in_dim3A_92 = vector.shape_cast %reduce_max3A_91 : vector<512xf32> to vector<512x1xf32>
    %eq3A_93 = vector.broadcast %broadcast_in_dim3A_92 : vector<512x1xf32> to vector<512x2048xf32>
    %eq3A_94 = arith.cmpf oeq, %dot_general3A_89, %eq3A_93 : vector<512x2048xf32>
    %get3A_95 = arith.constant 0 : index
    %get3A_96 = arith.constant 6144 : index
    %get3A_97 = vector.load %arg7[%get3A_95, %get3A_96] : memref<1x16384xi32, #tpu.memory_space<vmem>>, vector<1x2048xi32>
    %jit3A_98 = arith.constant 1073741824 : i32
    %broadcast_in_dim3A_99 = vector.shape_cast %get3A_97 : vector<1x2048xi32> to vector<1x2048xi32>
    %broadcast_in_dim3A_100 = vector.broadcast %broadcast_in_dim3A_99 : vector<1x2048xi32> to vector<512x2048xi32>
    %broadcast_in_dim3A_101 = vector.broadcast %jit3A_98 : i32 to vector<512x2048xi32>
    %select_n3A_102 = arith.select %eq3A_94, %broadcast_in_dim3A_100, %broadcast_in_dim3A_101 : vector<512x2048xi1>, vector<512x2048xi32>
    %reduce_min3A_103 = arith.constant dense<2147483647> : vector<512xi32>
    %reduce_min3A_104 = vector.multi_reduction <minsi>, %select_n3A_102, %reduce_min3A_103 [1] : vector<512x2048xi32> to vector<512xi32>
    %broadcast_in_dim3A_105 = vector.shape_cast %reduce_min3A_104 : vector<512xi32> to vector<512x1xi32>
    %gt3A_106 = arith.cmpf ogt, %broadcast_in_dim3A_92, %select_n3A_82 : vector<512x1xf32>
    %select_n3A_107 = arith.select %gt3A_106, %broadcast_in_dim3A_92, %select_n3A_82 : vector<512x1xi1>, vector<512x1xf32>
    %select_n3A_108 = arith.select %gt3A_106, %broadcast_in_dim3A_105, %select_n3A_83 : vector<512x1xi1>, vector<512x1xi32>
    %get3A_109 = arith.constant 0 : index
    %get3A_110 = arith.constant 8192 : index
    %get3A_111 = vector.load %arg8[%get3A_109, %get3A_110] : memref<4x16384xf32, #tpu.memory_space<vmem>>, vector<4x2048xf32>
    %convert_element_type3A_112 = arith.truncf %get3A_111 : vector<4x2048xf32> to vector<4x2048xbf16>
    %dot_general3A_113 = arith.constant dense<0.000000e+00> : vector<512x2048xf32>
    %dot_general3A_114 = tpu.matmul %concatenate3A, %convert_element_type3A_112, %dot_general3A_113 {dimension_numbers = #tpu.dot_dimension_numbers<[1], [0], [0], [1], [0, 0, 1, 1], [], []>, transpose_lhs_hint = false} : vector<512x4xbf16>, vector<4x2048xbf16>, vector<512x2048xf32> -> vector<512x2048xf32>
    %reduce_max3A_115 = arith.constant dense<0xFF800000> : vector<512xf32>
    %reduce_max3A_116 = vector.multi_reduction <maximumf>, %dot_general3A_114, %reduce_max3A_115 [1] : vector<512x2048xf32> to vector<512xf32>
    %broadcast_in_dim3A_117 = vector.shape_cast %reduce_max3A_116 : vector<512xf32> to vector<512x1xf32>
    %eq3A_118 = vector.broadcast %broadcast_in_dim3A_117 : vector<512x1xf32> to vector<512x2048xf32>
    %eq3A_119 = arith.cmpf oeq, %dot_general3A_114, %eq3A_118 : vector<512x2048xf32>
    %get3A_120 = arith.constant 0 : index
    %get3A_121 = arith.constant 8192 : index
    %get3A_122 = vector.load %arg7[%get3A_120, %get3A_121] : memref<1x16384xi32, #tpu.memory_space<vmem>>, vector<1x2048xi32>
    %jit3A_123 = arith.constant 1073741824 : i32
    %broadcast_in_dim3A_124 = vector.shape_cast %get3A_122 : vector<1x2048xi32> to vector<1x2048xi32>
    %broadcast_in_dim3A_125 = vector.broadcast %broadcast_in_dim3A_124 : vector<1x2048xi32> to vector<512x2048xi32>
    %broadcast_in_dim3A_126 = vector.broadcast %jit3A_123 : i32 to vector<512x2048xi32>
    %select_n3A_127 = arith.select %eq3A_119, %broadcast_in_dim3A_125, %broadcast_in_dim3A_126 : vector<512x2048xi1>, vector<512x2048xi32>
    %reduce_min3A_128 = arith.constant dense<2147483647> : vector<512xi32>
    %reduce_min3A_129 = vector.multi_reduction <minsi>, %select_n3A_127, %reduce_min3A_128 [1] : vector<512x2048xi32> to vector<512xi32>
    %broadcast_in_dim3A_130 = vector.shape_cast %reduce_min3A_129 : vector<512xi32> to vector<512x1xi32>
    %gt3A_131 = arith.cmpf ogt, %broadcast_in_dim3A_117, %select_n3A_107 : vector<512x1xf32>
    %select_n3A_132 = arith.select %gt3A_131, %broadcast_in_dim3A_117, %select_n3A_107 : vector<512x1xi1>, vector<512x1xf32>
    %select_n3A_133 = arith.select %gt3A_131, %broadcast_in_dim3A_130, %select_n3A_108 : vector<512x1xi1>, vector<512x1xi32>
    %get3A_134 = arith.constant 0 : index
    %get3A_135 = arith.constant 10240 : index
    %get3A_136 = vector.load %arg8[%get3A_134, %get3A_135] : memref<4x16384xf32, #tpu.memory_space<vmem>>, vector<4x2048xf32>
    %convert_element_type3A_137 = arith.truncf %get3A_136 : vector<4x2048xf32> to vector<4x2048xbf16>
    %dot_general3A_138 = arith.constant dense<0.000000e+00> : vector<512x2048xf32>
    %dot_general3A_139 = tpu.matmul %concatenate3A, %convert_element_type3A_137, %dot_general3A_138 {dimension_numbers = #tpu.dot_dimension_numbers<[1], [0], [0], [1], [0, 0, 1, 1], [], []>, transpose_lhs_hint = false} : vector<512x4xbf16>, vector<4x2048xbf16>, vector<512x2048xf32> -> vector<512x2048xf32>
    %reduce_max3A_140 = arith.constant dense<0xFF800000> : vector<512xf32>
    %reduce_max3A_141 = vector.multi_reduction <maximumf>, %dot_general3A_139, %reduce_max3A_140 [1] : vector<512x2048xf32> to vector<512xf32>
    %broadcast_in_dim3A_142 = vector.shape_cast %reduce_max3A_141 : vector<512xf32> to vector<512x1xf32>
    %eq3A_143 = vector.broadcast %broadcast_in_dim3A_142 : vector<512x1xf32> to vector<512x2048xf32>
    %eq3A_144 = arith.cmpf oeq, %dot_general3A_139, %eq3A_143 : vector<512x2048xf32>
    %get3A_145 = arith.constant 0 : index
    %get3A_146 = arith.constant 10240 : index
    %get3A_147 = vector.load %arg7[%get3A_145, %get3A_146] : memref<1x16384xi32, #tpu.memory_space<vmem>>, vector<1x2048xi32>
    %jit3A_148 = arith.constant 1073741824 : i32
    %broadcast_in_dim3A_149 = vector.shape_cast %get3A_147 : vector<1x2048xi32> to vector<1x2048xi32>
    %broadcast_in_dim3A_150 = vector.broadcast %broadcast_in_dim3A_149 : vector<1x2048xi32> to vector<512x2048xi32>
    %broadcast_in_dim3A_151 = vector.broadcast %jit3A_148 : i32 to vector<512x2048xi32>
    %select_n3A_152 = arith.select %eq3A_144, %broadcast_in_dim3A_150, %broadcast_in_dim3A_151 : vector<512x2048xi1>, vector<512x2048xi32>
    %reduce_min3A_153 = arith.constant dense<2147483647> : vector<512xi32>
    %reduce_min3A_154 = vector.multi_reduction <minsi>, %select_n3A_152, %reduce_min3A_153 [1] : vector<512x2048xi32> to vector<512xi32>
    %broadcast_in_dim3A_155 = vector.shape_cast %reduce_min3A_154 : vector<512xi32> to vector<512x1xi32>
    %gt3A_156 = arith.cmpf ogt, %broadcast_in_dim3A_142, %select_n3A_132 : vector<512x1xf32>
    %select_n3A_157 = arith.select %gt3A_156, %broadcast_in_dim3A_142, %select_n3A_132 : vector<512x1xi1>, vector<512x1xf32>
    %select_n3A_158 = arith.select %gt3A_156, %broadcast_in_dim3A_155, %select_n3A_133 : vector<512x1xi1>, vector<512x1xi32>
    %get3A_159 = arith.constant 0 : index
    %get3A_160 = arith.constant 12288 : index
    %get3A_161 = vector.load %arg8[%get3A_159, %get3A_160] : memref<4x16384xf32, #tpu.memory_space<vmem>>, vector<4x2048xf32>
    %convert_element_type3A_162 = arith.truncf %get3A_161 : vector<4x2048xf32> to vector<4x2048xbf16>
    %dot_general3A_163 = arith.constant dense<0.000000e+00> : vector<512x2048xf32>
    %dot_general3A_164 = tpu.matmul %concatenate3A, %convert_element_type3A_162, %dot_general3A_163 {dimension_numbers = #tpu.dot_dimension_numbers<[1], [0], [0], [1], [0, 0, 1, 1], [], []>, transpose_lhs_hint = false} : vector<512x4xbf16>, vector<4x2048xbf16>, vector<512x2048xf32> -> vector<512x2048xf32>
    %reduce_max3A_165 = arith.constant dense<0xFF800000> : vector<512xf32>
    %reduce_max3A_166 = vector.multi_reduction <maximumf>, %dot_general3A_164, %reduce_max3A_165 [1] : vector<512x2048xf32> to vector<512xf32>
    %broadcast_in_dim3A_167 = vector.shape_cast %reduce_max3A_166 : vector<512xf32> to vector<512x1xf32>
    %eq3A_168 = vector.broadcast %broadcast_in_dim3A_167 : vector<512x1xf32> to vector<512x2048xf32>
    %eq3A_169 = arith.cmpf oeq, %dot_general3A_164, %eq3A_168 : vector<512x2048xf32>
    %get3A_170 = arith.constant 0 : index
    %get3A_171 = arith.constant 12288 : index
    %get3A_172 = vector.load %arg7[%get3A_170, %get3A_171] : memref<1x16384xi32, #tpu.memory_space<vmem>>, vector<1x2048xi32>
    %jit3A_173 = arith.constant 1073741824 : i32
    %broadcast_in_dim3A_174 = vector.shape_cast %get3A_172 : vector<1x2048xi32> to vector<1x2048xi32>
    %broadcast_in_dim3A_175 = vector.broadcast %broadcast_in_dim3A_174 : vector<1x2048xi32> to vector<512x2048xi32>
    %broadcast_in_dim3A_176 = vector.broadcast %jit3A_173 : i32 to vector<512x2048xi32>
    %select_n3A_177 = arith.select %eq3A_169, %broadcast_in_dim3A_175, %broadcast_in_dim3A_176 : vector<512x2048xi1>, vector<512x2048xi32>
    %reduce_min3A_178 = arith.constant dense<2147483647> : vector<512xi32>
    %reduce_min3A_179 = vector.multi_reduction <minsi>, %select_n3A_177, %reduce_min3A_178 [1] : vector<512x2048xi32> to vector<512xi32>
    %broadcast_in_dim3A_180 = vector.shape_cast %reduce_min3A_179 : vector<512xi32> to vector<512x1xi32>
    %gt3A_181 = arith.cmpf ogt, %broadcast_in_dim3A_167, %select_n3A_157 : vector<512x1xf32>
    %select_n3A_182 = arith.select %gt3A_181, %broadcast_in_dim3A_167, %select_n3A_157 : vector<512x1xi1>, vector<512x1xf32>
    %select_n3A_183 = arith.select %gt3A_181, %broadcast_in_dim3A_180, %select_n3A_158 : vector<512x1xi1>, vector<512x1xi32>
    %get3A_184 = arith.constant 0 : index
    %get3A_185 = arith.constant 14336 : index
    %get3A_186 = vector.load %arg8[%get3A_184, %get3A_185] : memref<4x16384xf32, #tpu.memory_space<vmem>>, vector<4x2048xf32>
    %convert_element_type3A_187 = arith.truncf %get3A_186 : vector<4x2048xf32> to vector<4x2048xbf16>
    %dot_general3A_188 = arith.constant dense<0.000000e+00> : vector<512x2048xf32>
    %dot_general3A_189 = tpu.matmul %concatenate3A, %convert_element_type3A_187, %dot_general3A_188 {dimension_numbers = #tpu.dot_dimension_numbers<[1], [0], [0], [1], [0, 0, 1, 1], [], []>, transpose_lhs_hint = false} : vector<512x4xbf16>, vector<4x2048xbf16>, vector<512x2048xf32> -> vector<512x2048xf32>
    %reduce_max3A_190 = arith.constant dense<0xFF800000> : vector<512xf32>
    %reduce_max3A_191 = vector.multi_reduction <maximumf>, %dot_general3A_189, %reduce_max3A_190 [1] : vector<512x2048xf32> to vector<512xf32>
    %broadcast_in_dim3A_192 = vector.shape_cast %reduce_max3A_191 : vector<512xf32> to vector<512x1xf32>
    %eq3A_193 = vector.broadcast %broadcast_in_dim3A_192 : vector<512x1xf32> to vector<512x2048xf32>
    %eq3A_194 = arith.cmpf oeq, %dot_general3A_189, %eq3A_193 : vector<512x2048xf32>
    %get3A_195 = arith.constant 0 : index
    %get3A_196 = arith.constant 14336 : index
    %get3A_197 = vector.load %arg7[%get3A_195, %get3A_196] : memref<1x16384xi32, #tpu.memory_space<vmem>>, vector<1x2048xi32>
    %jit3A_198 = arith.constant 1073741824 : i32
    %broadcast_in_dim3A_199 = vector.shape_cast %get3A_197 : vector<1x2048xi32> to vector<1x2048xi32>
    %broadcast_in_dim3A_200 = vector.broadcast %broadcast_in_dim3A_199 : vector<1x2048xi32> to vector<512x2048xi32>
    %broadcast_in_dim3A_201 = vector.broadcast %jit3A_198 : i32 to vector<512x2048xi32>
    %select_n3A_202 = arith.select %eq3A_194, %broadcast_in_dim3A_200, %broadcast_in_dim3A_201 : vector<512x2048xi1>, vector<512x2048xi32>
    %reduce_min3A_203 = arith.constant dense<2147483647> : vector<512xi32>
    %reduce_min3A_204 = vector.multi_reduction <minsi>, %select_n3A_202, %reduce_min3A_203 [1] : vector<512x2048xi32> to vector<512xi32>
    %broadcast_in_dim3A_205 = vector.shape_cast %reduce_min3A_204 : vector<512xi32> to vector<512x1xi32>
    %gt3A_206 = arith.cmpf ogt, %broadcast_in_dim3A_192, %select_n3A_182 : vector<512x1xf32>
    %select_n3A_207 = arith.select %gt3A_206, %broadcast_in_dim3A_192, %select_n3A_182 : vector<512x1xi1>, vector<512x1xf32>
    %select_n3A_208 = arith.select %gt3A_206, %broadcast_in_dim3A_205, %select_n3A_183 : vector<512x1xi1>, vector<512x1xi32>
    %swap3A_209 = arith.constant 0 : index
    %swap3A_210 = arith.constant 0 : index
    %swap3A_211 = vector.load %arg5[%swap3A_209, %swap3A_210] : memref<512x1xi32, #tpu.memory_space<vmem>>, vector<512x1xi32>
    tpu.vector_store %arg5[%swap3A_209, %swap3A_210], %select_n3A_208 {strides = array<i32>} : memref<512x1xi32, #tpu.memory_space<vmem>>, vector<512x1xi32>,
    %mul3A_212 = arith.constant 2.000000e+00 : f32
    %mul3A_213 = vector.broadcast %mul3A_212 : f32 to vector<512x1xf32>
    %mul3A_214 = arith.mulf %mul3A_213, %select_n3A_207 : vector<512x1xf32>
    %sub3A = arith.subf %broadcast_in_dim3A, %mul3A_214 : vector<512x1xf32>
    %max3A = arith.constant 9.99999996E-13 : f32
    %max3A_215 = vector.broadcast %max3A : f32 to vector<512x1xf32>
    %max3A_216 = arith.maximumf %sub3A, %max3A_215 : vector<512x1xf32>
    %swap3A_217 = arith.constant 0 : index
    %swap3A_218 = arith.constant 0 : index
    %swap3A_219 = vector.load %arg4[%swap3A_217, %swap3A_218] : memref<512x1xf32, #tpu.memory_space<vmem>>, vector<512x1xf32>
    tpu.vector_store %arg4[%swap3A_217, %swap3A_218], %max3A_216 {strides = array<i32>} : memref<512x1xf32, #tpu.memory_space<vmem>>, vector<512x1xf32>,
    %iota3A_220 = tpu.iota {dimensions = array<i32: 0>} : vector<512x1xi32>
    %mul3A_221 = arith.constant 512 : i32
    %mul3A_222 = arith.muli %arg0, %mul3A_221 : i32
    %add3A = vector.broadcast %mul3A_222 : i32 to vector<512x1xi32>
    %add3A_223 = arith.addi %iota3A_220, %add3A : vector<512x1xi32>
    %broadcast_in_dim3A_224 = arith.constant 3.000000e+38 : f32
    %broadcast_in_dim3A_225 = vector.broadcast %broadcast_in_dim3A_224 : f32 to vector<512x1xf32>
    %get3A_226 = arith.constant 0 : index
    %get3A_227 = arith.constant 0 : index
    %get3A_228 = vector.load %arg3[%get3A_226, %get3A_227] : memref<3x4096xf32, #tpu.memory_space<vmem>>, vector<3x2048xf32>
    %slice3A = vector.extract_strided_slice %get3A_228 {offsets = [0, 0], sizes = [1, 2048], strides = [1, 1]} : vector<3x2048xf32> to vector<1x2048xf32>
    %slice3A_229 = vector.extract_strided_slice %get3A_228 {offsets = [0, 0], sizes = [1, 2048], strides = [1, 1]} : vector<3x2048xf32> to vector<1x2048xf32>
    %mul3A_230 = arith.mulf %slice3A, %slice3A_229 : vector<1x2048xf32>
    %slice3A_231 = vector.extract_strided_slice %get3A_228 {offsets = [1, 0], sizes = [1, 2048], strides = [1, 1]} : vector<3x2048xf32> to vector<1x2048xf32>
    %slice3A_232 = vector.extract_strided_slice %get3A_228 {offsets = [1, 0], sizes = [1, 2048], strides = [1, 1]} : vector<3x2048xf32> to vector<1x2048xf32>
    %mul3A_233 = arith.mulf %slice3A_231, %slice3A_232 : vector<1x2048xf32>
    %add3A_234 = arith.addf %mul3A_230, %mul3A_233 : vector<1x2048xf32>
    %slice3A_235 = vector.extract_strided_slice %get3A_228 {offsets = [2, 0], sizes = [1, 2048], strides = [1, 1]} : vector<3x2048xf32> to vector<1x2048xf32>
    %slice3A_236 = vector.extract_strided_slice %get3A_228 {offsets = [2, 0], sizes = [1, 2048], strides = [1, 1]} : vector<3x2048xf32> to vector<1x2048xf32>
    %mul3A_237 = arith.mulf %slice3A_235, %slice3A_236 : vector<1x2048xf32>
    %add3A_238 = arith.addf %add3A_234, %mul3A_237 : vector<1x2048xf32>
    %convert_element_type3A_239 = arith.truncf %get3A_228 : vector<3x2048xf32> to vector<3x2048xbf16>
    %dot_general3A_240 = arith.constant dense<0.000000e+00> : vector<512x2048xf32>
    %dot_general3A_241 = tpu.matmul %convert_element_type3A, %convert_element_type3A_239, %dot_general3A_240 {dimension_numbers = #tpu.dot_dimension_numbers<[1], [0], [0], [1], [0, 0, 1, 1], [], []>, transpose_lhs_hint = false} : vector<512x3xbf16>, vector<3x2048xbf16>, vector<512x2048xf32> -> vector<512x2048xf32>
    %mul3A_242 = arith.constant 2.000000e+00 : f32
    %mul3A_243 = vector.broadcast %mul3A_242 : f32 to vector<512x2048xf32>
    %mul3A_244 = arith.mulf %mul3A_243, %dot_general3A_241 : vector<512x2048xf32>
    %sub3A_245 = vector.broadcast %add3A_238 : vector<1x2048xf32> to vector<512x2048xf32>
    %sub3A_246 = arith.subf %sub3A_245, %mul3A_244 : vector<512x2048xf32>
    %get3A_247 = arith.constant 0 : index
    %get3A_248 = arith.constant 0 : index
    %get3A_249 = vector.load %arg7[%get3A_247, %get3A_248] : memref<1x16384xi32, #tpu.memory_space<vmem>>, vector<1x2048xi32>
    %eq3A_250 = vector.broadcast %get3A_249 : vector<1x2048xi32> to vector<512x2048xi32>
    %eq3A_251 = vector.broadcast %add3A_223 : vector<512x1xi32> to vector<512x2048xi32>
    %eq3A_252 = arith.cmpi eq, %eq3A_250, %eq3A_251 : vector<512x2048xi32>
    %jit3A_253 = arith.constant 3.000000e+38 : f32
    %broadcast_in_dim3A_254 = vector.broadcast %jit3A_253 : f32 to vector<512x2048xf32>
    %select_n3A_255 = arith.select %eq3A_252, %broadcast_in_dim3A_254, %sub3A_246 : vector<512x2048xi1>, vector<512x2048xf32>
    %reduce_min3A_256 = arith.constant dense<0x7F800000> : vector<512xf32>
    %reduce_min3A_257 = vector.multi_reduction <minimumf>, %select_n3A_255, %reduce_min3A_256 [1] : vector<512x2048xf32> to vector<512xf32>
    %broadcast_in_dim3A_258 = vector.shape_cast %reduce_min3A_257 : vector<512xf32> to vector<512x1xf32>
    %min3A = arith.minimumf %broadcast_in_dim3A_225, %broadcast_in_dim3A_258 : vector<512x1xf32>
    %get3A_259 = arith.constant 0 : index
    %get3A_260 = arith.constant 2048 : index
    %get3A_261 = vector.load %arg3[%get3A_259, %get3A_260] : memref<3x4096xf32, #tpu.memory_space<vmem>>, vector<3x2048xf32>
    %slice3A_262 = vector.extract_strided_slice %get3A_261 {offsets = [0, 0], sizes = [1, 2048], strides = [1, 1]} : vector<3x2048xf32> to vector<1x2048xf32>
    %slice3A_263 = vector.extract_strided_slice %get3A_261 {offsets = [0, 0], sizes = [1, 2048], strides = [1, 1]} : vector<3x2048xf32> to vector<1x2048xf32>
    %mul3A_264 = arith.mulf %slice3A_262, %slice3A_263 : vector<1x2048xf32>
    %slice3A_265 = vector.extract_strided_slice %get3A_261 {offsets = [1, 0], sizes = [1, 2048], strides = [1, 1]} : vector<3x2048xf32> to vector<1x2048xf32>
    %slice3A_266 = vector.extract_strided_slice %get3A_261 {offsets = [1, 0], sizes = [1, 2048], strides = [1, 1]} : vector<3x2048xf32> to vector<1x2048xf32>
    %mul3A_267 = arith.mulf %slice3A_265, %slice3A_266 : vector<1x2048xf32>
    %add3A_268 = arith.addf %mul3A_264, %mul3A_267 : vector<1x2048xf32>
    %slice3A_269 = vector.extract_strided_slice %get3A_261 {offsets = [2, 0], sizes = [1, 2048], strides = [1, 1]} : vector<3x2048xf32> to vector<1x2048xf32>
    %slice3A_270 = vector.extract_strided_slice %get3A_261 {offsets = [2, 0], sizes = [1, 2048], strides = [1, 1]} : vector<3x2048xf32> to vector<1x2048xf32>
    %mul3A_271 = arith.mulf %slice3A_269, %slice3A_270 : vector<1x2048xf32>
    %add3A_272 = arith.addf %add3A_268, %mul3A_271 : vector<1x2048xf32>
    %convert_element_type3A_273 = arith.truncf %get3A_261 : vector<3x2048xf32> to vector<3x2048xbf16>
    %dot_general3A_274 = arith.constant dense<0.000000e+00> : vector<512x2048xf32>
    %dot_general3A_275 = tpu.matmul %convert_element_type3A, %convert_element_type3A_273, %dot_general3A_274 {dimension_numbers = #tpu.dot_dimension_numbers<[1], [0], [0], [1], [0, 0, 1, 1], [], []>, transpose_lhs_hint = false} : vector<512x3xbf16>, vector<3x2048xbf16>, vector<512x2048xf32> -> vector<512x2048xf32>
    %mul3A_276 = arith.constant 2.000000e+00 : f32
    %mul3A_277 = vector.broadcast %mul3A_276 : f32 to vector<512x2048xf32>
    %mul3A_278 = arith.mulf %mul3A_277, %dot_general3A_275 : vector<512x2048xf32>
    %sub3A_279 = vector.broadcast %add3A_272 : vector<1x2048xf32> to vector<512x2048xf32>
    %sub3A_280 = arith.subf %sub3A_279, %mul3A_278 : vector<512x2048xf32>
    %get3A_281 = arith.constant 0 : index
    %get3A_282 = arith.constant 2048 : index
    %get3A_283 = vector.load %arg7[%get3A_281, %get3A_282] : memref<1x16384xi32, #tpu.memory_space<vmem>>, vector<1x2048xi32>
    %eq3A_284 = vector.broadcast %get3A_283 : vector<1x2048xi32> to vector<512x2048xi32>
    %eq3A_285 = vector.broadcast %add3A_223 : vector<512x1xi32> to vector<512x2048xi32>
    %eq3A_286 = arith.cmpi eq, %eq3A_284, %eq3A_285 : vector<512x2048xi32>
    %jit3A_287 = arith.constant 3.000000e+38 : f32
    %broadcast_in_dim3A_288 = vector.broadcast %jit3A_287 : f32 to vector<512x2048xf32>
    %select_n3A_289 = arith.select %eq3A_286, %broadcast_in_dim3A_288, %sub3A_280 : vector<512x2048xi1>, vector<512x2048xf32>
    %reduce_min3A_290 = arith.constant dense<0x7F800000> : vector<512xf32>
    %reduce_min3A_291 = vector.multi_reduction <minimumf>, %select_n3A_289, %reduce_min3A_290 [1] : vector<512x2048xf32> to vector<512xf32>
    %broadcast_in_dim3A_292 = vector.shape_cast %reduce_min3A_291 : vector<512xf32> to vector<512x1xf32>
    %min3A_293 = arith.minimumf %min3A, %broadcast_in_dim3A_292 : vector<512x1xf32>
    %add3A_294 = arith.addf %broadcast_in_dim3A, %min3A_293 : vector<512x1xf32>
    %max3A_295 = arith.constant 9.99999996E-13 : f32
    %max3A_296 = vector.broadcast %max3A_295 : f32 to vector<512x1xf32>
    %max3A_297 = arith.maximumf %add3A_294, %max3A_296 : vector<512x1xf32>
    %swap3A_298 = arith.constant 0 : index
    %swap3A_299 = arith.constant 0 : index
    %swap3A_300 = vector.load %arg6[%swap3A_298, %swap3A_299] : memref<512x1xf32, #tpu.memory_space<vmem>>, vector<512x1xf32>
    tpu.vector_store %arg6[%swap3A_298, %swap3A_299], %max3A_297 {strides = array<i32>} : memref<512x1xf32, #tpu.memory_space<vmem>>, vector<512x1xf32>,
    return
  }
  func.func @transform_0(%arg0: i32) -> (i32, i32) {
    %c0_i32 = arith.constant 0 : i32
    %c0_i32_0 = arith.constant 0 : i32
    return %arg0, %c0_i32 : i32, i32
  }
  func.func @transform_1(%arg0: i32) -> (i32, i32) {
    %c0_i32 = arith.constant 0 : i32
    %c0_i32_0 = arith.constant 0 : i32
    %c0_i32_1 = arith.constant 0 : i32
    return %c0_i32, %c0_i32_0 : i32, i32
  }
  func.func @transform_2(%arg0: i32) -> (i32, i32) {
    %c0_i32 = arith.constant 0 : i32
    %c0_i32_0 = arith.constant 0 : i32
    %c0_i32_1 = arith.constant 0 : i32
    return %c0_i32, %c0_i32_0 : i32, i32
  }
  func.func @transform_3(%arg0: i32) -> (i32, i32) {
    %c0_i32 = arith.constant 0 : i32
    %c0_i32_0 = arith.constant 0 : i32
    return %arg0, %c0_i32 : i32, i32
  }
  func.func @transform_4(%arg0: i32) -> (i32, i32) {
    %c0_i32 = arith.constant 0 : i32
    %c0_i32_0 = arith.constant 0 : i32
    return %arg0, %c0_i32 : i32, i32
  }
  func.func @transform_5(%arg0: i32) -> (i32, i32) {
    %c0_i32 = arith.constant 0 : i32
    %c0_i32_0 = arith.constant 0 : i32
    return %arg0, %c0_i32 : i32, i32
  }
}

module attributes {stable_mosaic.version = 14 : i64} {
  func.func @_k3_body(%arg0: memref<32x128xf32, #tpu.memory_space<vmem>>, %arg1: memref<32x128xf32, #tpu.memory_space<vmem>>, %arg2: memref<3x4096xf32, #tpu.memory_space<vmem>>, %arg3: memref<3x4096xf32, #tpu.memory_space<vmem>>, %arg4: memref<1x1xf32, #tpu.memory_space<smem>>) attributes {dimension_semantics = [], scalar_prefetch = 0 : i64, scratch_operands = 0 : i64, tpu.core_type = #tpu.core_type<tc>} {
    %get3A = arith.constant 0 : index
    %get3A_0 = arith.constant 0 : index
    %get3A_1 = vector.load %arg0[%get3A, %get3A_0] : memref<32x128xf32, #tpu.memory_space<vmem>>, vector<32x128xf32>
    %get3A_2 = arith.constant 0 : index
    %get3A_3 = arith.constant 0 : index
    %get3A_4 = vector.load %arg1[%get3A_2, %get3A_3] : memref<32x128xf32, #tpu.memory_space<vmem>>, vector<32x128xf32>
    %get3A_5 = arith.constant 0 : index
    %get3A_6 = arith.constant 0 : index
    %get3A_7 = vector.load %arg2[%get3A_5, %get3A_6] : memref<3x4096xf32, #tpu.memory_space<vmem>>, vector<3x4096xf32>
    %get3A_8 = arith.constant 0 : index
    %get3A_9 = arith.constant 0 : index
    %get3A_10 = vector.load %arg3[%get3A_8, %get3A_9] : memref<3x4096xf32, #tpu.memory_space<vmem>>, vector<3x4096xf32>
    %reduce_sum3A = vector.shape_cast %get3A_1 : vector<32x128xf32> to vector<1x32x128xf32>
    %reduce_sum3A_11 = arith.constant dense<0.000000e+00> : vector<1xf32>
    %reduce_sum3A_12 = vector.multi_reduction <add>, %reduce_sum3A, %reduce_sum3A_11 [1, 2] : vector<1x32x128xf32> to vector<1xf32>
    %reduce_sum3A_13 = vector.shape_cast %reduce_sum3A_12 : vector<1xf32> to vector<1x1x1xf32>
    %reduce_sum3A_14 = vector.extract %reduce_sum3A_13[0, 0, 0] : f32 from vector<1x1x1xf32>
    %div3A = arith.constant 1.228800e+04 : f32
    %div3A_15 = arith.divf %reduce_sum3A_14, %div3A : f32
    %sqrt3A = math.sqrt %get3A_4 : vector<32x128xf32>
    %sub3A = arith.constant 3.000000e-01 : f32
    %sub3A_16 = vector.broadcast %sub3A : f32 to vector<32x128xf32>
    %sub3A_17 = arith.subf %sub3A_16, %sqrt3A : vector<32x128xf32>
    %mul3A = arith.constant 1.000000e+02 : f32
    %mul3A_18 = vector.broadcast %mul3A : f32 to vector<32x128xf32>
    %mul3A_19 = arith.mulf %mul3A_18, %sub3A_17 : vector<32x128xf32>
    %max3A = arith.constant 0.000000e+00 : f32
    %max3A_20 = vector.broadcast %max3A : f32 to vector<32x128xf32>
    %max3A_21 = arith.maximumf %mul3A_19, %max3A_20 : vector<32x128xf32>
    %abs3A = math.absf %mul3A_19 : vector<32x128xf32>
    %neg3A = arith.constant 0.000000e+00 : f32
    %neg3A_22 = vector.broadcast %neg3A : f32 to vector<32x128xf32>
    %neg3A_23 = arith.subf %neg3A_22, %abs3A : vector<32x128xf32>
    %exp3A = math.exp %neg3A_23 : vector<32x128xf32>
    %add3A = arith.constant 1.000000e+00 : f32
    %add3A_24 = vector.broadcast %add3A : f32 to vector<32x128xf32>
    %add3A_25 = arith.addf %add3A_24, %exp3A : vector<32x128xf32>
    %log3A = math.log %add3A_25 : vector<32x128xf32>
    %add3A_26 = arith.addf %max3A_21, %log3A : vector<32x128xf32>
    %mul3A_27 = arith.mulf %add3A_26, %add3A_26 : vector<32x128xf32>
    %reduce_sum3A_28 = vector.shape_cast %mul3A_27 : vector<32x128xf32> to vector<1x32x128xf32>
    %reduce_sum3A_29 = arith.constant dense<0.000000e+00> : vector<1xf32>
    %reduce_sum3A_30 = vector.multi_reduction <add>, %reduce_sum3A_28, %reduce_sum3A_29 [1, 2] : vector<1x32x128xf32> to vector<1xf32>
    %reduce_sum3A_31 = vector.shape_cast %reduce_sum3A_30 : vector<1xf32> to vector<1x1x1xf32>
    %reduce_sum3A_32 = vector.extract %reduce_sum3A_31[0, 0, 0] : f32 from vector<1x1x1xf32>
    %div3A_33 = arith.constant 4.096000e+03 : f32
    %div3A_34 = arith.divf %reduce_sum3A_32, %div3A_33 : f32
    %mul3A_35 = arith.mulf %get3A_7, %get3A_7 : vector<3x4096xf32>
    %reduce_sum3A_36 = arith.constant dense<0.000000e+00> : vector<4096xf32>
    %reduce_sum3A_37 = vector.multi_reduction <add>, %mul3A_35, %reduce_sum3A_36 [0] : vector<3x4096xf32> to vector<4096xf32>
    %broadcast_in_dim3A = vector.shape_cast %reduce_sum3A_37 : vector<4096xf32> to vector<1x4096xf32>
    %mul3A_38 = arith.mulf %get3A_10, %get3A_10 : vector<3x4096xf32>
    %reduce_sum3A_39 = arith.constant dense<0.000000e+00> : vector<4096xf32>
    %reduce_sum3A_40 = vector.multi_reduction <add>, %mul3A_38, %reduce_sum3A_39 [0] : vector<3x4096xf32> to vector<4096xf32>
    %broadcast_in_dim3A_41 = vector.shape_cast %reduce_sum3A_40 : vector<4096xf32> to vector<1x4096xf32>
    %sqrt3A_42 = math.sqrt %broadcast_in_dim3A : vector<1x4096xf32>
    %max3A_43 = arith.constant 9.99999974E-6 : f32
    %max3A_44 = vector.broadcast %max3A_43 : f32 to vector<1x4096xf32>
    %max3A_45 = arith.maximumf %sqrt3A_42, %max3A_44 : vector<1x4096xf32>
    %sqrt3A_46 = math.sqrt %broadcast_in_dim3A_41 : vector<1x4096xf32>
    %max3A_47 = arith.constant 9.99999974E-6 : f32
    %max3A_48 = vector.broadcast %max3A_47 : f32 to vector<1x4096xf32>
    %max3A_49 = arith.maximumf %sqrt3A_46, %max3A_48 : vector<1x4096xf32>
    %mul3A_50 = arith.mulf %get3A_7, %get3A_10 : vector<3x4096xf32>
    %reduce_sum3A_51 = arith.constant dense<0.000000e+00> : vector<4096xf32>
    %reduce_sum3A_52 = vector.multi_reduction <add>, %mul3A_50, %reduce_sum3A_51 [0] : vector<3x4096xf32> to vector<4096xf32>
    %broadcast_in_dim3A_53 = vector.shape_cast %reduce_sum3A_52 : vector<4096xf32> to vector<1x4096xf32>
    %mul3A_54 = arith.mulf %max3A_45, %max3A_49 : vector<1x4096xf32>
    %div3A_55 = arith.divf %broadcast_in_dim3A_53, %mul3A_54 : vector<1x4096xf32>
    %sub3A_56 = arith.constant 1.000000e+00 : f32
    %sub3A_57 = vector.broadcast %sub3A_56 : f32 to vector<1x4096xf32>
    %sub3A_58 = arith.subf %sub3A_57, %div3A_55 : vector<1x4096xf32>
    %reduce_sum3A_59 = vector.shape_cast %sub3A_58 : vector<1x4096xf32> to vector<1x1x4096xf32>
    %reduce_sum3A_60 = arith.constant dense<0.000000e+00> : vector<1xf32>
    %reduce_sum3A_61 = vector.multi_reduction <add>, %reduce_sum3A_59, %reduce_sum3A_60 [1, 2] : vector<1x1x4096xf32> to vector<1xf32>
    %reduce_sum3A_62 = vector.shape_cast %reduce_sum3A_61 : vector<1xf32> to vector<1x1x1xf32>
    %reduce_sum3A_63 = vector.extract %reduce_sum3A_62[0, 0, 0] : f32 from vector<1x1x1xf32>
    %div3A_64 = arith.constant 4.096000e+03 : f32
    %div3A_65 = arith.divf %reduce_sum3A_63, %div3A_64 : f32
    %add3A_66 = arith.addf %div3A_15, %div3A_34 : f32
    %mul3A_67 = arith.constant 1.000000e+01 : f32
    %mul3A_68 = arith.mulf %mul3A_67, %div3A_65 : f32
    %add3A_69 = arith.addf %add3A_66, %mul3A_68 : f32
    %swap3A = arith.constant 0 : index
    %swap3A_70 = arith.constant 0 : index
    %swap3A_71 = memref.load %arg4[%swap3A, %swap3A_70] : memref<1x1xf32, #tpu.memory_space<smem>>
    memref.store %add3A_69, %arg4[%swap3A, %swap3A_70] : memref<1x1xf32, #tpu.memory_space<smem>>
    return
  }
}

</mosaic_0001>

<sc_bundles>
// kernel: kernel.5.cloned.1.call-start
scs
__scs_entry_jumppad:
0x0: {  	(pc) =	sbr.rel $0x88, $3  }
0x1: {  	(tag) =	ssettag $0x0;
	lr =	simm.s32 $0x1  }
0x2: {  	[smem:$0x3F9F] =	sst lr;
	_ =	strace $0xD0000000  }
0x3: {  	_ = 	snop  }
0x4: {  	_ = 	snop  }
0x5: {  	_ = 	snop  }
0x6: {  	_ = 	snop  }
0x7: {  	_ = 	snop  }
__scs_overlays_trampoline_lowered:
0x8: {  	[smem:$0x3FAE] =	sst s0  }
0x9: {  	[smem:$0x3FAF] =	sst s1  }
0xa: {  	[smem:$0x3FB0] =	sst s2  }
0xb: {  	[smem:$0x3FB1] =	sst s3  }
0xc: {  	[smem:$0x3FB2] =	sst s4  }
0xd: {  	[smem:$0x3FB3] =	sst s5  }
0xe: {  	[smem:$0x3FB4] =	sst s6  }
0xf: {  	[smem:$0x3FB5] =	sst s7  }
0x10: {  	[smem:$0x3FB6] =	sst s8  }
0x11: {  	[smem:$0x3FB7] =	sst s9;
	s0 =	simm.s32 @!p0 $0x0  }
0x12: {  	s1 =	sld [smem:$0x3F9D];
	s0 =	simm.s32 @p0 $0x1  }
0x13: {  	[smem:$0x3FB8] =	sst s0;
	s0 =	simm.s32 @!p1 $0x0  }
0x14: {  	s2 =	sld [smem:$0x3F9C];
	s0 =	simm.s32 @p1 $0x1  }
0x15: {  	[smem:$0x3FB9] =	sst s0;
	s0 =	simm.s32 @!p2 $0x0  }
0x16: {  	s3 =	sld [smem:$0x3FDB];
	s0 =	simm.s32 @p2 $0x1  }
0x17: {  	s4 =	simm.s32 $0x1BF5;
	[smem:$0x3FBB] =	sst s0  }
0x18: {  	s0 =	sld [smem:$0x3F9E];
	_ =	swait.ge [sflag:s4], $0x0  }
0x19: {  	s7 =	sld [smem:$0x3F9F]  }
0x1a: {  	s8 =	sadd.s32 $0xFFFFE003, lr  }
0x1b: {  	s9 =	sadd.s32 $0xFFFFFEF7, lr;
	s5 =	simm.s32 $0xFFFFFFFF;
	p2 =	slt.u32 s8, $0xFFFFF086  }
0x1c: {  	p1 =	slt.u32 s9, $0xF7A;
	s5 =	simm.s32 @!p2 $0x0  }
0x1d: {  	s5 =	simm.s32 @p1 $0x1;
	p0 =	seq.s32 s7, s2  }
0x1e: {  	s7 =	smul.u32 @!p0 $0xF7A, s2;
	p2 =	seq.s32 @!p0 s5, $0x0  }
0x1f: {  	s9 =	smul.u32 $0xF7A, s1;
	s8 =	simm.s32 @!p0 $0x1BF5;
	p2 =	por !p2, p0  }
0x20: {  	[sflag:s8] =	ssyncset.s32 @!p0 $0xFFFFF086;
	s6 =	sadd.s32 @!p0 s3, s7;
	s7 =	simm.s32 @!p0 $0x108  }
0x21: {  	s3 =	sadd.s32 s3, s9;
	s6 =	sadd.s32 @!p0 $0x88, s6;
	s7 =	simm.s32 @p2 $0x1082  }
0x22: {  	[simem:s7], [sflag:s8] =	dma.local @!p0 [hbm:s6], $0xF7A  }
0x23: {  	s9 =	sor.u32 $0xD0000000, s2;
	s6 =	simm.s32 $0x108;
	_ =	swait.ge @!p0 [sflag:s8], $0x0  }
0x24: {  	s3 =	sadd.s32 $0x88, s3;
	s6 =	simm.s32 @!p1 $0x1082;
	[sflag:s4] =	ssyncset.s32 $0xFFFFF086  }
0x25: {  	[simem:s6], [sflag:s4] =	dma.local [hbm:s3], $0xF7A  }
0x26: {  	[smem:$0x3F9F] =	sst s1;
	(tag) =	ssettag s2;
	_ =	strace s9  }
0x27: {  	s1 =	sld [smem:$0x3FAF]  }
0x28: {  	s2 =	sld [smem:$0x3FB0]  }
0x29: {  	s4 =	sld [smem:$0x3FB2]  }
0x2a: {  	p0 =	seq.s32 s5, $0x0;
	s5 =	sld [smem:$0x3FB3]  }
0x2b: {  	s6 =	sld [smem:$0x3FB4]  }
0x2c: {  	s7 =	sld [smem:$0x3FB5]  }
0x2d: {  	s3 =	simm.s32 $0x108;
	s8 =	sld [smem:$0x3FB6]  }
0x2e: {  	s3 =	simm.s32 @!p0 $0x1082;
	s9 =	sld [smem:$0x3FB7]  }
0x2f: {  	lr =	sadd.s32 s0, s3;
	s0 =	sld [smem:$0x3FAE]  }
0x30: {  	s3 =	sld [smem:$0x3FB1]  }
0x31: {  	[smem:$0x3FBA] =	sst s10  }
0x32: {  	s10 =	sld [smem:$0x3FB8];
	_ =	sdelay $0x3  }
0x33: {  	p0 =	seq.s32 s10, $0x1;
	s10 =	sld [smem:$0x3FBA];
	_ =	sdelay $0x3  }
0x34: {  	[smem:$0x3FBA] =	sst s10  }
0x35: {  	s10 =	sld [smem:$0x3FB9];
	_ =	sdelay $0x3  }
0x36: {  	p1 =	seq.s32 s10, $0x1;
	s10 =	sld [smem:$0x3FBA];
	_ =	sdelay $0x3  }
0x37: {  	[smem:$0x3FBA] =	sst s10  }
0x38: {  	s10 =	sld [smem:$0x3FBB]  }
0x39: {  	_ = 	snop;
	(pc) =	sbr.ind lr, $3  }
0x3a: {  	_ = 	snop  }
0x3b: {  	_ = 	snop  }
0x3c: {  	p2 =	seq.s32 s10, $0x1;
	s10 =	sld [smem:$0x3FBA]  }
0x3d: {  	_ =	shalt  }
0x3e: {  	_ =	shalt  }
0x3f: {  	_ =	shalt  }
0x40: {  	_ =	shalt  }
0x41: {  	_ =	shalt  }
0x42: {  	_ =	shalt  }
0x43: {  	_ =	shalt  }
0x44: {  	_ =	shalt  }
0x45: {  	_ =	shalt  }
0x46: {  	_ =	shalt  }
0x47: {  	_ =	shalt  }
0x48: {  	_ =	shalt  }
0x49: {  	_ =	shalt  }
0x4a: {  	_ =	shalt  }
0x4b: {  	_ =	shalt  }
0x4c: {  	_ =	shalt  }
0x4d: {  	_ =	shalt  }
0x4e: {  	_ =	shalt  }
0x4f: {  	_ =	shalt  }
0x50: {  	_ =	shalt  }
0x51: {  	_ =	shalt  }
0x52: {  	_ =	shalt  }
0x53: {  	_ =	shalt  }
0x54: {  	_ =	shalt  }
0x55: {  	_ =	shalt  }
0x56: {  	_ =	shalt  }
0x57: {  	_ =	shalt  }
0x58: {  	_ =	shalt  }
0x59: {  	_ =	shalt  }
0x5a: {  	_ =	shalt  }
0x5b: {  	_ =	shalt  }
0x5c: {  	_ =	shalt  }
0x5d: {  	_ =	shalt  }
0x5e: {  	_ =	shalt  }
0x5f: {  	_ =	shalt  }
0x60: {  	_ =	shalt  }
0x61: {  	_ =	shalt  }
0x62: {  	_ =	shalt  }
0x63: {  	_ =	shalt  }
0x64: {  	_ =	shalt  }
0x65: {  	_ =	shalt  }
0x66: {  	_ =	shalt  }
0x67: {  	_ =	shalt  }
0x68: {  	_ =	shalt  }
0x69: {  	_ =	shalt  }
0x6a: {  	_ =	shalt  }
0x6b: {  	_ =	shalt  }
0x6c: {  	_ =	shalt  }
0x6d: {  	_ =	shalt  }
0x6e: {  	_ =	shalt  }
0x6f: {  	_ =	shalt  }
0x70: {  	_ =	shalt  }
0x71: {  	_ =	shalt  }
0x72: {  	_ =	shalt  }
0x73: {  	_ =	shalt  }
0x74: {  	_ =	shalt  }
0x75: {  	_ =	shalt  }
0x76: {  	_ =	shalt  }
0x77: {  	_ =	shalt  }
0x78: {  	_ =	shalt  }
0x79: {  	_ =	shalt  }
0x7a: {  	_ =	shalt  }
0x7b: {  	_ =	shalt  }
0x7c: {  	_ =	shalt  }
0x7d: {  	_ =	shalt  }
0x7e: {  	_ =	shalt  }
0x7f: {  	_ =	shalt  }
0x80: {  	_ =	shalt  }
0x81: {  	_ =	shalt  }
0x82: {  	_ =	shalt  }
0x83: {  	_ =	shalt  }
0x84: {  	_ =	shalt  }
0x85: {  	_ =	shalt  }
0x86: {  	_ =	shalt  }
0x87: {  	_ =	shalt  }
.Lfunc_end0:
.L_simem_size_0:
called_computation_lowered:
.L_overlay_start_0:
0x88: {  	s2 =	sld [smem:$0x3FD9]  }
0x89: {  	s3 =	sld [smem:$0x3FFE];
	_ =	sdelay $0x1  }
0x8a: {  	s1 =	srdreg.scid  }
0x8b: {  	s0 =	sand.u32 $0x1, s1  }
0x8c: {  	s16 =	sshll.u32 s0, $0xA;
	s2 =	sadd.s32 s3, s2  }
0x8d: {  	s2 =	sadd.s32 s2, s16  }
0x8e: {  	[smem:$0x3FC6] =	sst s2  }
0x8f: {  	_ = 	snop  }
0x90: {  	(tm) =	ssettm $0x1  }
0x91: {  	s17 =	sld [smem:$0x3FFB];
	_ =	sdelay $0x3  }
0x92: {  	_ =	strace s17  }
0x93: {  	s2 =	sld [smem:$0x3FFC];
	_ =	sdelay $0x3  }
0x94: {  	_ =	strace s2  }
0x95: {  	s2 =	sld [smem:$0x3FFD];
	_ =	sdelay $0x3  }
0x96: {  	_ =	strace s2  }
0x97: {  	_ =	strace $0x8FFFFFFF  }
0x98: {  	s18 =	sld [smem:$0x3FDB];
	_ =	sdelay $0x1  }
0x99: {  	s19 =	simm.s32 $_scs_section_size  }
0x9a: {  	s4 =	simm.s32 $_size__tile_overlayer_lowered;
	s5 =	simm.s32 $_tile_overlayer_lowered  }
0x9b: {  	s22 =	simm.s32 $0x1BFF;
	s21 =	sshll.u32 s5, $0x1;
	s2 =	sadd.s32 s19, s18  }
0x9c: {  	s6 =	simm.s32 $0x0;
	s20 =	sshll.u32 s4, $0x1;
	s4 =	sadd.s32 s21, s2  }
0x9d: {  	[timem:s6], [sflag:s22] =	dma.local [hbm:s4], s20  }
0x9e: {  	_ =	swait.ge [sflag:s22], s20  }
0x9f: {  	s3 =	ssub.s32 $0x0, s20;
	[sflag:s22] =	ssyncset.done $0x0  }
0xa0: {  	[sflag:s22] =	ssyncadd.s32 s3;
	_ =	sdelay $0x1  }
0xa1: {  	s23 =	simm.s32 $0x1B8B  }
0xa2: {  	_ =	swait.ge [sflag:s23], $0x1  }
0xa3: {  	[sflag:s23] =	ssyncset.done $0x0  }
0xa4: {  	s25 =	simm.s32 $0x1B8E;
	s24 =	sld [smem:$0x3FFE];
	[sflag:s23] =	ssyncadd.s32 $0xFFFFFFFF  }
0xa5: {  	s26 =	simm.s32 $execute0_lowered;
	[smem:$0x3FD2] =	sst s25  }
0xa6: {  	s4 =	sshll.u32 s26, $0x1;
	_ =	strace $0x80000046;
	[dreg:$0x1] =	wrdreg $0xFFFFFFFF  }
0xa7: {  	s28 =	simm.s32 $_size_execute0_lowered;
	s2 =	sadd.s32 s2, s4;
	[dreg:$0x0] =	wrdreg $0x0  }
0xa8: {  	s4 =	sshll.u32 s28, $0x1;
	[dreg:$0x2] =	wrdreg s2  }
0xa9: {  	[dreg:$0x3] =	wrdreg s4  }
0xaa: {  	[dreg:$0x4] =	wrdreg $0xC0  }
0xab: {  	_ =	task [dreg:s6], $0x5FFFF  }
0xac: {  	[dreg:$0x1] =	wrdreg $0xFFFFFFFF  }
0xad: {  	[dreg:$0x0] =	wrdreg $0x60  }
0xae: {  	[dreg:$0x2] =	wrdreg s24  }
0xaf: {  	[dreg:$0x3] =	wrdreg $0x9  }
0xb0: {  	_ =	task.clear_ibuf [dreg:s6], $0x4FFFF;
	_ =	strace $0x90000046  }
0xb1: {  	s29 =	simm.s32 $0x9;
	_ =	strace $0x80000048  }
0xb2: {  	_ =	swait.ge [sflag:s29], $0x1  }
0xb3: {  	[sflag:s29] =	ssyncadd.s32 $0xFFFFFFFF  }
0xb4: {  	_ =	strace $0x90000048  }
0xb5: {  	_ =	sfence  }
0xb6: {  	s30 =	sld [smem:$0x0];
	_ =	sdelay $0x2  }
0xb7: {  	s31 =	sshll.u32 s1, $0xD;
	s1 =	sshrl.u32 s1, $0x2  }
0xb8: {  	s3 =	sand.u32 $0x4000, s31;
	s1 =	sadd.s32 s1, s30  }
0xb9: {  	s0 =	sor.u32 s3, s0;
	s1 =	sshll.u32 s1, $0x11  }
0xba: {  	s0 =	sor.u32 s1, s0  }
0xbb: {  	s0 =	sadd.s32 $0x8F2B, s0  }
0xbc: {  	[sflag:s0] =	ssyncadd.remote.s32 $0x1  }
0xbd: {  	_ =	sfence.sel $0xFFFF  }
0xbe: {  	[dreg:$0x0] =	wrdreg $0xFFFFFFFF;
	(pc) =	sbr.abs _section_cstart, $3  }
0xbf: {  	[dreg:$0x1] =	wrdreg $0xFFFFFFFF  }
0xc0: {  	_ =	task.clear_ibuf [dreg:s6], $0x2FFFF;
	_ =	strace $0x9FFFFFFF  }
0xc1: {  	(tm) =	ssettm $0x7FFFFFFF  }
tec
execute0_lowered:
.L_overlay_start_1:
0x0: {  	(tag) =	ssettag $0x1  }
0x1: {  	s1 =	srdreg.scid  }
0x2: {  	s0 =	stileid.u32;
	s6 =	sand.u32 $0x1, s1  }
0x3: {  	s31 =	sshll.u32 s0, $0x8;
	s3 =	sshll.u32 s6, $0x7  }
0x4: {  	s2 =	rddreg [dreg:$0x0];
	s8 =	sor.u32 s3, s31  }
0x5: {  	s1 =	rddreg [dreg:$0x1];
	s3 =	simm.s32 $0x0;
	s4 =	sshrl.u32 s8, $0x3  }
0x6: {  	s9 =	ssub.s32 $0x2, s6;
	[smem:$0x7FF] =	sst s3;
	s4 =	sadd.s32 s4, s2  }
0x7: {  	_ =	strace $0x80000047;
	s5 =	sadd.s32 $0x8000, s4;
	s4 =	simm.s32 $0x2  }
0x8: {  	[tilespmem:s3], [sflag:$0x2] =	stream.linear.gather [hbm4b:s5+s3], $0x80, $0x38;
	[tilespmem:$0x880] =	vst v63  }
0x9: {  	s10 =	sshrl.u32 s9, $0x1;
	_ =	swait.ge [sflag:s4], $0x80  }
0xa: {  	s7 =	simm.s32 $0x1;
	s9 =	ssub.s32 s9, s10;
	[sflag:s4] =	ssyncset.done $0x0  }
0xb: {  	s6 =	simm.s32 $0x80;
	s9 =	smax.u32 s9, $0x1;
	[sflag:s4] =	ssyncadd.s32 $0xFFFFFF80  }
0xc: {  	[tilespmem:s6], [sflag:$0x1] =	stream.indirect.gather [hbm4b:s2+s6], $0x10, s3, s6, $0xb8;
	[tilespmem:$0x880] =	vst v63  }
0xd: {  	s8 =	sshll.u32 s8, $0x1;
	p0 =	sne.s32 s9, $0x1;
	_ =	swait.ge [sflag:s7], $0x800  }
.Ltmp0:
0xe: {  	s8 =	sadd.s32 s8, s2;
	[sflag:s7] =	ssyncset.done $0x0;
	(pc) =	sbr.rel @!p0 .LBB2_2-.Ltmp0, $4  }
0xf: {  	s8 =	sadd.s32 $0x8200, s8;
	[sflag:s7] =	ssyncadd.s32 $0xFFFFF800  }
0x10: {  	[hbm4b:s8+s3] =	stream.linear.scatter [tilespmem:s6], [sflag:$0x2], $0x800, $0x38;
	[tilespmem:$0x880] =	vst v63  }
0x11: {  	_ =	swait.ge [sflag:s4], $0x800  }
0x12: {  	s9 =	sadd.s32 $0xFFFFFFFF, s9;
	[sflag:s4] =	ssyncset.done $0x0  }
.LBB2_1:
0x13: {  	p0 =	sne.s32 s9, $0x1;
	s9 =	sadd.s32 $0xFFFFFFFF, s9;
	[sflag:s4] =	ssyncadd.s32 $0xFFFFF800  }
0x14: {  	[tilespmem:s3], [sflag:$0x2] =	stream.linear.gather [hbm4b:s5+s3], $0x80, $0x38;
	[tilespmem:$0x880] =	vst v63  }
0x15: {  	_ =	swait.ge [sflag:s4], $0x80  }
0x16: {  	[sflag:s4] =	ssyncset.done $0x0  }
0x17: {  	[sflag:s4] =	ssyncadd.s32 $0xFFFFFF80  }
0x18: {  	[tilespmem:s6], [sflag:$0x1] =	stream.indirect.gather [hbm4b:s2+s6], $0x10, s3, s6, $0xb8;
	[tilespmem:$0x880] =	vst v63  }
0x19: {  	_ =	swait.ge [sflag:s7], $0x800  }
.Ltmp1:
0x1a: {  	[sflag:s7] =	ssyncset.done $0x0;
	(pc) =	sbr.rel @p0 .LBB2_1-.Ltmp1, $4  }
0x1b: {  	[sflag:s7] =	ssyncadd.s32 $0xFFFFF800  }
0x1c: {  	[hbm4b:s8+s3] =	stream.linear.scatter [tilespmem:s6], [sflag:$0x2], $0x800, $0x38;
	[tilespmem:$0x880] =	vst v63  }
0x1d: {  	_ =	swait.ge [sflag:s4], $0x800  }
0x1e: {  	[sflag:s4] =	ssyncset.done $0x0  }
.LBB2_2:
0x1f: {  	[sflag:s4] =	ssyncadd.s32 $0xFFFFF800  }
0x20: {  	_ =	sfence.sel $0x180000  }
0x21: {  	[bflag:$0x0] =	sbarrier.arrive $0xFFFF  }
0x22: {  	p0 =	sne.s32 s0, $0x0;
	_ =	strace $0x90000047  }
0x23: {  	s0 =	sadd.s32 @!p0 $0x100000, s1;
	[bflag:$0x2] =	sbarrier.arrive $0xFFFF  }
0x24: {  	[sflag:s0] =	ssyncadd.tile.s32 @!p0 $0x1;
	_ =	shalt  }
.Lfunc_end2:
_tile_overlayer_lowered:
.L_overlay_start_2:
0x25: {  	(tag) =	ssettag $0x2  }
0x26: {  	s0 =	rddreg [dreg:$0x0];
	s2 =	stileid.u32  }
0x27: {  	s1 =	rddreg [dreg:$0x1];
	p0 =	sne.s32 s2, $0x0  }
0x28: {  	s3 =	rddreg [dreg:$0x2];
	[bflag:$0x3] =	sbarrier.arrive $0xFFFF;
	s2 =	simm.s32 @!p0 $0x1C02  }
0x29: {  	[timem:s3], [sflag:s2] =	dma.local @!p0 [hbm:s0], s1  }
0x2a: {  	s0 =	simm.s32 @!p0 $0x2  }
0x2b: {  	_ =	swait.ge @!p0 [sflag:s0], s1  }
0x2c: {  	s1 =	ssub.s32 @!p0 $0x0, s1;
	[sflag:s0] =	ssyncset.done @!p0 $0x0  }
0x2d: {  	[sflag:s0] =	ssyncadd.s32 @!p0 s1  }
0x2e: {  	[bflag:$0x3] =	sbarrier.arrive $0xFFFF  }
0x2f: {  	_ =	shalt  }

</sc_bundles>
